<compile_context>
chip_gen: v7x
topology: tpu7x:2x2x1
jax: 0.10.2.dev20260603
libtpu: 0.0.44.dev20260713+nightly
codegen_flags: <defaults>
</compile_context>

<pallas_src>
import random as _pyrandom

import jax
import jax.numpy as jnp
import numpy as np
from jax import lax
from jax.experimental import pallas as pl
from jax.experimental.pallas import tpu as pltpu
from jax.experimental.pallas import tpu_sc as plsc

_VOCAB = 1024
_PAD_ID = 0
_DUR_VAR = 0.5
_TT = 1024
_LANES = 16


def _static_gather_index(B, L, T):
    rng = _pyrandom.Random(0)
    max_t = T - 1
    rows = []
    for _ in range(B):
        avg = max_t / L
        div = [int((x + 1) * avg + rng.random() * (avg * _DUR_VAR / 2))
               for x in range(L - 1)]
        durations = np.array([a - b for a, b in zip(div + [max_t], [0] + div)],
                             dtype=np.int64)
        rows.append(np.repeat(np.arange(L, dtype=np.int64), durations))
    idx = np.stack(rows)
    gidx = np.concatenate([np.full((B, 1), L, dtype=np.int64), idx], axis=1)
    return gidx.astype(np.int32)


def _sc_gather(gidx_flat, text_flat, B, T, Lext):
    info = plsc.get_sparse_core_info()
    nc, ns = info.num_cores, info.num_subcores
    nw = nc * ns
    chunk = (B * T) // nw
    rows_per_chunk = T // chunk

    def body(gidx_hbm, text_hbm, out_hbm, idx_v, text_v, tok_v, sem_t, sem_i):
        wid = lax.axis_index("s") * nc + lax.axis_index("c")
        b = wid // rows_per_chunk
        base = wid * chunk
        cp_t = pltpu.async_copy(text_hbm.at[pl.ds(b * Lext, Lext)], text_v, sem_t)
        cp_i = pltpu.async_copy(gidx_hbm.at[pl.ds(base, chunk)], idx_v, sem_i)
        cp_t.wait()
        cp_i.wait()
        def gloop(i, _):
            vec = idx_v[pl.ds(i * _LANES, _LANES)]
            tok_v[pl.ds(i * _LANES, _LANES)] = plsc.load_gather(text_v, [vec])
            return 0

        lax.fori_loop(0, chunk // _LANES, gloop, 0)
        pltpu.sync_copy(tok_v, out_hbm.at[pl.ds(base, chunk)])

    mesh = plsc.VectorSubcoreMesh(core_axis_name="c", subcore_axis_name="s")
    f = pl.kernel(
        body,
        out_type=jax.ShapeDtypeStruct((B * T,), jnp.int32),
        mesh=mesh,
        compiler_params=pltpu.CompilerParams(
            needs_layout_passes=False,
            disable_bounds_checks=True,
            skip_device_barrier=True,
        ),
        scratch_types=[
            pltpu.VMEM((chunk,), jnp.int32),
            pltpu.VMEM((Lext,), jnp.int32),
            pltpu.VMEM((chunk,), jnp.int32),
            pltpu.SemaphoreType.DMA,
            pltpu.SemaphoreType.DMA,
        ],
    )
    return f(gidx_flat, text_flat)


def _oh_kernel(tok_ref, out_ref):
    tt = tok_ref.shape[-1]
    cols = out_ref.shape[-1]
    d = cols - _VOCAB
    toks = tok_ref[0, 0, 0, :]
    cidx = jax.lax.broadcasted_iota(jnp.int32, (tt, cols), 1)
    out_ref[0] = (cidx == toks[:, None] + d).astype(jnp.float32)


def kernel(feats, text):
    B, T, D = feats.shape
    L = text.shape[1]
    Lext = 2 * L
    gidx_flat = jnp.asarray(_static_gather_index(B, L, T).reshape(-1))
    text_flat = jnp.pad(text.astype(jnp.int32), ((0, 0), (0, Lext - L)),
                        constant_values=_PAD_ID).reshape(-1)

    toks = _sc_gather(gidx_flat, text_flat, B, T, Lext)
    toks4 = toks.reshape(B, T // _TT, 1, _TT)

    out = pl.pallas_call(
        _oh_kernel,
        grid=(B, T // _TT),
        in_specs=[pl.BlockSpec((1, 1, 1, _TT), lambda b, j: (b, j, 0, 0))],
        out_specs=pl.BlockSpec((1, _TT, D + _VOCAB), lambda b, j: (b, j, 0)),
        out_shape=jax.ShapeDtypeStruct((B, T, D + _VOCAB), jnp.float32),
    )(toks4)
    return out

# --- scband reference (transcript-rebuilt; emitter-appended) ---
"""Pipeline reference for scband-textogram-87076166959952 (READ-ONLY COPY).

The authoritative reference and input builder live on the scoring server;
editing this copy changes nothing except your own understanding.
"""

import jax, jax.numpy as jnp
import numpy as np
import random

VOCAB_SIZE = 1024
PAD_ID = 0
IGNORE_ID = -1
DURATION_VARIANCE = 0.5


def _compute_duration_map(rng, size, sum_d):
    avg = sum_d / size
    div = [int((x + 1) * avg + rng.random() * (avg * DURATION_VARIANCE / 2)) for x in range(size - 1)]
    durations = np.array([a - b for a, b in zip(div + [sum_d], [0] + div)], dtype=np.int64)
    return durations


def _compute_textograms(text, T):
    # mirrors Textogram.compute_textograms (duration_map=None branch,
    # no confusion, no masking). Deterministic via seeded python RNG.
    rng = random.Random(0)
    max_t = T - 1
    B, L = text.shape
    # tokens are drawn in [0, VOCAB_SIZE), so the IGNORE_ID filter keeps all
    # L entries; the duration maps therefore depend only on static shapes and
    # the seeded RNG, and can be materialized as static gather indices.
    index_rows = []
    for _ in range(B):
        durations = _compute_duration_map(rng, L, max_t)
        index_rows.append(np.repeat(np.arange(L, dtype=np.int64), durations))
    idx = jnp.asarray(np.stack(index_rows))  # (B, T-1), static
    extended_t = jnp.take_along_axis(text, idx, axis=1)
    pad = jnp.full((B, 1), PAD_ID, dtype=text.dtype)
    tg = jnp.concatenate([pad, extended_t], axis=1)  # (B, T)
    return jax.nn.one_hot(tg, VOCAB_SIZE, dtype=jnp.float32)


def setup_inputs(seed: int = 0) -> dict:
    key = jax.random.key(seed)
    k1, k2 = jax.random.split(key)
    feats = jax.random.normal(k1, (8, 2048, 512), dtype=jnp.float32)
    text = jax.random.randint(k2, (8, 256), 0, VOCAB_SIZE, dtype=jnp.int64)
    return {"feats": feats, "text": text}


def reference(feats, text):
    # mode='text' path: compute textogram, zero out acoustic features,
    # concat along feature dim -> (B, T, D_feats + vocab_size)
    textogram = _compute_textograms(text, feats.shape[1])
    out = jnp.concatenate([jnp.zeros_like(feats), textogram], axis=-1)
    return out

if __name__ == "__main__":
    import jax
    _d = setup_inputs()
    print(jax.jit(kernel)(*tuple(_d.values())))

</pallas_src>

<mosaic_0001>
#map = affine_map<(d0, d1) -> (0)>
module attributes {stable_mosaic.version = 14 : i64} {
  func.func @body(%arg0: i32, %arg1: i32, %arg2: memref<16384xi32, #tpu.memory_space<hbm>>, %arg3: memref<4096xi32, #tpu.memory_space<hbm>>, %arg4: memref<16384xi32, #tpu.memory_space<hbm>>, %arg5: memref<512xi32, #tpu.memory_space<vmem>>, %arg6: memref<512xi32, #tpu.memory_space<vmem>>, %arg7: memref<512xi32, #tpu.memory_space<vmem>>, %arg8: memref<!tpu.dma_semaphore, #tpu.memory_space<semaphore_mem>>, %arg9: memref<!tpu.dma_semaphore, #tpu.memory_space<semaphore_mem>>) attributes {dimension_semantics = [#tpu.dimension_semantics<core_parallel>, #tpu.dimension_semantics<subcore_parallel>], iteration_bounds = array<i64: 2, 16>, scalar_prefetch = 0 : i64, scratch_operands = 5 : i64, tpu.core_type = #tpu.core_type<sc_vector_subcore>, window_params = [{transform_indices = #map}, {transform_indices = #map}, {transform_indices = #map}]} {
    %mul3A = arith.constant 2 : i32
    %mul3A_0 = arith.muli %arg1, %mul3A : i32
    %add3A = arith.addi %mul3A_0, %arg0 : i32
    %jit3A = arith.constant 4 : i32
    %div3A = arith.divsi %add3A, %jit3A : i32
    %sign3A = arith.constant 0 : i32
    %sign3A_1 = arith.cmpi sgt, %add3A, %sign3A : i32
    %sign3A_2 = arith.extui %sign3A_1 : i1 to i32
    %sign3A_3 = arith.constant 0 : i32
    %sign3A_4 = arith.cmpi slt, %add3A, %sign3A_3 : i32
    %sign3A_5 = arith.extui %sign3A_4 : i1 to i32
    %sign3A_6 = arith.subi %sign3A_2, %sign3A_5 : i32
    %sign3A_7 = arith.constant 0 : i32
    %sign3A_8 = arith.cmpi sgt, %jit3A, %sign3A_7 : i32
    %sign3A_9 = arith.extui %sign3A_8 : i1 to i32
    %sign3A_10 = arith.constant 0 : i32
    %sign3A_11 = arith.cmpi slt, %jit3A, %sign3A_10 : i32
    %sign3A_12 = arith.extui %sign3A_11 : i1 to i32
    %sign3A_13 = arith.subi %sign3A_9, %sign3A_12 : i32
    %ne3A = arith.cmpi ne, %sign3A_6, %sign3A_13 : i32
    %rem3A = arith.remsi %add3A, %jit3A : i32
    %ne3A_14 = arith.constant 0 : i32
    %ne3A_15 = arith.cmpi ne, %rem3A, %ne3A_14 : i32
    %and3A = arith.andi %ne3A, %ne3A_15 : i1
    %sub3A = arith.constant 1 : i32
    %sub3A_16 = arith.subi %div3A, %sub3A : i32
    %select_n3A = arith.select %and3A, %sub3A_16, %div3A : i32
    %mul3A_17 = arith.constant 512 : i32
    %mul3A_18 = arith.muli %add3A, %mul3A_17 : i32
    %mul3A_19 = arith.constant 512 : i32
    %mul3A_20 = arith.muli %select_n3A, %mul3A_19 : i32
    %dma_start3A = tpu.memref_slice %arg3[%mul3A_20] : memref<4096xi32, #tpu.memory_space<hbm>> -> memref<512xi32, #tpu.memory_space<hbm>>
    %dma_start3A_21 = tpu.memref_slice %arg3[%mul3A_20] : memref<4096xi32, #tpu.memory_space<hbm>> -> memref<512xi32, #tpu.memory_space<hbm>>
    tpu.enqueue_dma source(%dma_start3A_21 : memref<512xi32, #tpu.memory_space<hbm>>) target(%arg6 : memref<512xi32, #tpu.memory_space<vmem>>) target_semaphore(%arg8 : memref<!tpu.dma_semaphore, #tpu.memory_space<semaphore_mem>>)
    %dma_start3A_22 = tpu.memref_slice %arg2[%mul3A_18] : memref<16384xi32, #tpu.memory_space<hbm>> -> memref<512xi32, #tpu.memory_space<hbm>>
    %dma_start3A_23 = tpu.memref_slice %arg2[%mul3A_18] : memref<16384xi32, #tpu.memory_space<hbm>> -> memref<512xi32, #tpu.memory_space<hbm>>
    tpu.enqueue_dma source(%dma_start3A_23 : memref<512xi32, #tpu.memory_space<hbm>>) target(%arg5 : memref<512xi32, #tpu.memory_space<vmem>>) target_semaphore(%arg9 : memref<!tpu.dma_semaphore, #tpu.memory_space<semaphore_mem>>)
    %dma_wait3A = tpu.memref_slice %arg3[%mul3A_20] : memref<4096xi32, #tpu.memory_space<hbm>> -> memref<512xi32, #tpu.memory_space<hbm>>
    %dma_wait3A_24 = tpu.memref_slice %arg3[%mul3A_20] : memref<4096xi32, #tpu.memory_space<hbm>> -> memref<512xi32, #tpu.memory_space<hbm>>
    tpu.wait_dma2 semaphore(%arg8 : memref<!tpu.dma_semaphore, #tpu.memory_space<semaphore_mem>>) src(%dma_wait3A_24 : memref<512xi32, #tpu.memory_space<hbm>>) dst(%arg6 : memref<512xi32, #tpu.memory_space<vmem>>)
    %dma_wait3A_25 = tpu.memref_slice %arg2[%mul3A_18] : memref<16384xi32, #tpu.memory_space<hbm>> -> memref<512xi32, #tpu.memory_space<hbm>>
    %dma_wait3A_26 = tpu.memref_slice %arg2[%mul3A_18] : memref<16384xi32, #tpu.memory_space<hbm>> -> memref<512xi32, #tpu.memory_space<hbm>>
    tpu.wait_dma2 semaphore(%arg9 : memref<!tpu.dma_semaphore, #tpu.memory_space<semaphore_mem>>) src(%dma_wait3A_26 : memref<512xi32, #tpu.memory_space<hbm>>) dst(%arg5 : memref<512xi32, #tpu.memory_space<vmem>>)
    %scan3A = arith.constant 0 : i32
    %scan3A_27 = arith.constant 0 : i32
    %scan3A_28 = arith.constant 32 : i32
    %scan3A_29 = arith.addi %scan3A_27, %scan3A_28 : i32
    %scan3A_30 = arith.constant 1 : i32
    %scan3A_31 = scf.for %scan3A_33 = %scan3A_27 to %scan3A_29 step %scan3A_30 iter_args(%scan3A_34 = %scan3A) -> (i32)  : i32 {
      %mul3A_35 = arith.constant 16 : i32
      %mul3A_36 = arith.muli %scan3A_33, %mul3A_35 : i32
      %get3A = arith.index_cast %mul3A_36 : i32 to index
      %get3A_37 = tpu.vector_load %arg5[%get3A] {strides = array<i32>} : memref<512xi32, #tpu.memory_space<vmem>>, vector<16xi32>,
      %gather3A = tpu.vector_load_idx %arg6[%get3A_37] : memref<512xi32, #tpu.memory_space<vmem>>[vector<16xi32>], vector<16xi32>,
      %mul3A_38 = arith.constant 16 : i32
      %mul3A_39 = arith.muli %scan3A_33, %mul3A_38 : i32
      %swap3A = arith.index_cast %mul3A_39 : i32 to index
      %swap3A_40 = tpu.vector_load %arg7[%swap3A] {strides = array<i32>} : memref<512xi32, #tpu.memory_space<vmem>>, vector<16xi32>,
      tpu.vector_store %arg7[%swap3A], %gather3A {strides = array<i32>} : memref<512xi32, #tpu.memory_space<vmem>>, vector<16xi32>,
      %scan3A_41 = arith.constant 0 : i32
      scf.yield %scan3A_41 : i32
    }
    %scan3A_32 = arith.constant 32 : i32
    "tpu.region"() ({
      %run_scoped3A = tpu.sem_alloc : memref<!tpu.dma_semaphore, #tpu.memory_space<semaphore_mem>>
      %dma_start3A_33 = tpu.memref_slice %arg4[%mul3A_18] : memref<16384xi32, #tpu.memory_space<hbm>> -> memref<512xi32, #tpu.memory_space<hbm>>
      %dma_start3A_34 = tpu.memref_slice %arg4[%mul3A_18] : memref<16384xi32, #tpu.memory_space<hbm>> -> memref<512xi32, #tpu.memory_space<hbm>>
      tpu.enqueue_dma source(%arg7 : memref<512xi32, #tpu.memory_space<vmem>>) target(%dma_start3A_34 : memref<512xi32, #tpu.memory_space<hbm>>) target_semaphore(%run_scoped3A : memref<!tpu.dma_semaphore, #tpu.memory_space<semaphore_mem>>)
      %dma_wait3A_35 = tpu.memref_slice %arg4[%mul3A_18] : memref<16384xi32, #tpu.memory_space<hbm>> -> memref<512xi32, #tpu.memory_space<hbm>>
      %dma_wait3A_36 = tpu.memref_slice %arg4[%mul3A_18] : memref<16384xi32, #tpu.memory_space<hbm>> -> memref<512xi32, #tpu.memory_space<hbm>>
      tpu.wait_dma2 semaphore(%run_scoped3A : memref<!tpu.dma_semaphore, #tpu.memory_space<semaphore_mem>>) src(%arg7 : memref<512xi32, #tpu.memory_space<vmem>>) dst(%dma_wait3A_36 : memref<512xi32, #tpu.memory_space<hbm>>)
      tpu.yield
    }) : () -> ()
    return
  }
}

module attributes {stable_mosaic.version = 14 : i64} {
  func.func @_oh_kernel(%arg0: i32, %arg1: i32, %arg2: memref<1x1x1x1024xi32, #tpu.memory_space<vmem>>, %arg3: memref<1x1024x1536xf32, #tpu.memory_space<vmem>>) attributes {dimension_semantics = [#tpu.dimension_semantics<arbitrary>, #tpu.dimension_semantics<arbitrary>], iteration_bounds = array<i64: 8, 2>, scalar_prefetch = 0 : i64, scratch_operands = 0 : i64, tpu.core_type = #tpu.core_type<tc>, window_params = [{transform_indices = @transform_0, window_bounds = array<i64: 1, 1, 1, 1024>}, {transform_indices = @transform_1, window_bounds = array<i64: 1, 1024, 1536>}]} {
    %get3A = arith.constant 0 : index
    %get3A_0 = arith.constant 0 : index
    %get3A_1 = arith.constant 0 : index
    %get3A_2 = arith.constant 0 : index
    %get3A_3 = vector.load %arg2[%get3A, %get3A_0, %get3A_1, %get3A_2] : memref<1x1x1x1024xi32, #tpu.memory_space<vmem>>, vector<1x1x1x1024xi32>
    %get3A_4 = vector.shape_cast %get3A_3 : vector<1x1x1x1024xi32> to vector<1024xi32>
    %iota3A = tpu.iota {dimensions = array<i32: 1>} : vector<1024x1536xi32>
    %broadcast_in_dim3A = vector.shape_cast %get3A_4 : vector<1024xi32> to vector<1024x1xi32>
    %add3A = arith.constant 512 : i32
    %add3A_5 = vector.broadcast %add3A : i32 to vector<1024x1xi32>
    %add3A_6 = arith.addi %broadcast_in_dim3A, %add3A_5 : vector<1024x1xi32>
    %eq3A = vector.broadcast %add3A_6 : vector<1024x1xi32> to vector<1024x1536xi32>
    %eq3A_7 = arith.cmpi eq, %iota3A, %eq3A : vector<1024x1536xi32>
    %convert_element_type3A = arith.extui %eq3A_7 : vector<1024x1536xi1> to vector<1024x1536xi32>
    %convert_element_type3A_8 = arith.sitofp %convert_element_type3A : vector<1024x1536xi32> to vector<1024x1536xf32>
    %swap3A = arith.constant 0 : index
    %swap3A_9 = arith.constant 0 : index
    %swap3A_10 = arith.constant 0 : index
    %swap3A_11 = vector.load %arg3[%swap3A, %swap3A_9, %swap3A_10] : memref<1x1024x1536xf32, #tpu.memory_space<vmem>>, vector<1x1024x1536xf32>
    %swap3A_12 = vector.shape_cast %swap3A_11 : vector<1x1024x1536xf32> to vector<1024x1536xf32>
    %swap3A_13 = vector.shape_cast %convert_element_type3A_8 : vector<1024x1536xf32> to vector<1x1024x1536xf32>
    tpu.vector_store %arg3[%swap3A, %swap3A_9, %swap3A_10], %swap3A_13 {strides = array<i32>} : memref<1x1024x1536xf32, #tpu.memory_space<vmem>>, vector<1x1024x1536xf32>,
    return
  }
  func.func @transform_0(%arg0: i32, %arg1: i32) -> (i32, i32, i32, i32) {
    %c0_i32 = arith.constant 0 : i32
    %c0_i32_0 = arith.constant 0 : i32
    %c0_i32_1 = arith.constant 0 : i32
    return %arg0, %arg1, %c0_i32, %c0_i32_0 : i32, i32, i32, i32
  }
  func.func @transform_1(%arg0: i32, %arg1: i32) -> (i32, i32, i32) {
    %c0_i32 = arith.constant 0 : i32
    %c0_i32_0 = arith.constant 0 : i32
    return %arg0, %arg1, %c0_i32 : i32, i32, i32
  }
}

</mosaic_0001>

<sc_bundles>
// kernel: kernel.4.cloned.1.call-start
scs
__scs_entry_jumppad:
0x0: {  	(pc) =	sbr.rel $0x88, $3  }
0x1: {  	(tag) =	ssettag $0x0;
	lr =	simm.s32 $0x1  }
0x2: {  	[smem:$0x3FA0] =	sst lr;
	_ =	strace $0xD0000000  }
0x3: {  	_ = 	snop  }
0x4: {  	_ = 	snop  }
0x5: {  	_ = 	snop  }
0x6: {  	_ = 	snop  }
0x7: {  	_ = 	snop  }
__scs_overlays_trampoline_lowered:
0x8: {  	[smem:$0x3FAF] =	sst s0  }
0x9: {  	[smem:$0x3FB0] =	sst s1  }
0xa: {  	[smem:$0x3FB1] =	sst s2  }
0xb: {  	[smem:$0x3FB2] =	sst s3  }
0xc: {  	[smem:$0x3FB3] =	sst s4  }
0xd: {  	[smem:$0x3FB4] =	sst s5  }
0xe: {  	[smem:$0x3FB5] =	sst s6  }
0xf: {  	[smem:$0x3FB6] =	sst s7  }
0x10: {  	[smem:$0x3FB7] =	sst s8  }
0x11: {  	[smem:$0x3FB8] =	sst s9;
	s0 =	simm.s32 @!p0 $0x0  }
0x12: {  	s1 =	sld [smem:$0x3F9E];
	s0 =	simm.s32 @p0 $0x1  }
0x13: {  	[smem:$0x3FB9] =	sst s0;
	s0 =	simm.s32 @!p1 $0x0  }
0x14: {  	s2 =	sld [smem:$0x3F9D];
	s0 =	simm.s32 @p1 $0x1  }
0x15: {  	[smem:$0x3FBA] =	sst s0;
	s0 =	simm.s32 @!p2 $0x0  }
0x16: {  	s3 =	sld [smem:$0x3FDB];
	s0 =	simm.s32 @p2 $0x1  }
0x17: {  	s4 =	simm.s32 $0x1BF5;
	[smem:$0x3FBC] =	sst s0  }
0x18: {  	s0 =	sld [smem:$0x3F9F];
	_ =	swait.ge [sflag:s4], $0x0  }
0x19: {  	s7 =	sld [smem:$0x3FA0]  }
0x1a: {  	s8 =	sadd.s32 $0xFFFFE003, lr  }
0x1b: {  	s9 =	sadd.s32 $0xFFFFFEF7, lr;
	s5 =	simm.s32 $0xFFFFFFFF;
	p2 =	slt.u32 s8, $0xFFFFF086  }
0x1c: {  	p1 =	slt.u32 s9, $0xF7A;
	s5 =	simm.s32 @!p2 $0x0  }
0x1d: {  	s5 =	simm.s32 @p1 $0x1;
	p0 =	seq.s32 s7, s2  }
0x1e: {  	s7 =	smul.u32 @!p0 $0xF7A, s2;
	p2 =	seq.s32 @!p0 s5, $0x0  }
0x1f: {  	s9 =	smul.u32 $0xF7A, s1;
	s8 =	simm.s32 @!p0 $0x1BF5;
	p2 =	por !p2, p0  }
0x20: {  	[sflag:s8] =	ssyncset.s32 @!p0 $0xFFFFF086;
	s6 =	sadd.s32 @!p0 s3, s7;
	s7 =	simm.s32 @!p0 $0x108  }
0x21: {  	s3 =	sadd.s32 s3, s9;
	s6 =	sadd.s32 @!p0 $0x88, s6;
	s7 =	simm.s32 @p2 $0x1082  }
0x22: {  	[simem:s7], [sflag:s8] =	dma.local @!p0 [hbm:s6], $0xF7A  }
0x23: {  	s9 =	sor.u32 $0xD0000000, s2;
	s6 =	simm.s32 $0x108;
	_ =	swait.ge @!p0 [sflag:s8], $0x0  }
0x24: {  	s3 =	sadd.s32 $0x88, s3;
	s6 =	simm.s32 @!p1 $0x1082;
	[sflag:s4] =	ssyncset.s32 $0xFFFFF086  }
0x25: {  	[simem:s6], [sflag:s4] =	dma.local [hbm:s3], $0xF7A  }
0x26: {  	[smem:$0x3FA0] =	sst s1;
	(tag) =	ssettag s2;
	_ =	strace s9  }
0x27: {  	s1 =	sld [smem:$0x3FB0]  }
0x28: {  	s2 =	sld [smem:$0x3FB1]  }
0x29: {  	s4 =	sld [smem:$0x3FB3]  }
0x2a: {  	p0 =	seq.s32 s5, $0x0;
	s5 =	sld [smem:$0x3FB4]  }
0x2b: {  	s6 =	sld [smem:$0x3FB5]  }
0x2c: {  	s7 =	sld [smem:$0x3FB6]  }
0x2d: {  	s3 =	simm.s32 $0x108;
	s8 =	sld [smem:$0x3FB7]  }
0x2e: {  	s3 =	simm.s32 @!p0 $0x1082;
	s9 =	sld [smem:$0x3FB8]  }
0x2f: {  	lr =	sadd.s32 s0, s3;
	s0 =	sld [smem:$0x3FAF]  }
0x30: {  	s3 =	sld [smem:$0x3FB2]  }
0x31: {  	[smem:$0x3FBB] =	sst s10  }
0x32: {  	s10 =	sld [smem:$0x3FB9];
	_ =	sdelay $0x3  }
0x33: {  	p0 =	seq.s32 s10, $0x1;
	s10 =	sld [smem:$0x3FBB];
	_ =	sdelay $0x3  }
0x34: {  	[smem:$0x3FBB] =	sst s10  }
0x35: {  	s10 =	sld [smem:$0x3FBA];
	_ =	sdelay $0x3  }
0x36: {  	p1 =	seq.s32 s10, $0x1;
	s10 =	sld [smem:$0x3FBB];
	_ =	sdelay $0x3  }
0x37: {  	[smem:$0x3FBB] =	sst s10  }
0x38: {  	s10 =	sld [smem:$0x3FBC]  }
0x39: {  	_ = 	snop;
	(pc) =	sbr.ind lr, $3  }
0x3a: {  	_ = 	snop  }
0x3b: {  	_ = 	snop  }
0x3c: {  	p2 =	seq.s32 s10, $0x1;
	s10 =	sld [smem:$0x3FBB]  }
0x3d: {  	_ =	shalt  }
0x3e: {  	_ =	shalt  }
0x3f: {  	_ =	shalt  }
0x40: {  	_ =	shalt  }
0x41: {  	_ =	shalt  }
0x42: {  	_ =	shalt  }
0x43: {  	_ =	shalt  }
0x44: {  	_ =	shalt  }
0x45: {  	_ =	shalt  }
0x46: {  	_ =	shalt  }
0x47: {  	_ =	shalt  }
0x48: {  	_ =	shalt  }
0x49: {  	_ =	shalt  }
0x4a: {  	_ =	shalt  }
0x4b: {  	_ =	shalt  }
0x4c: {  	_ =	shalt  }
0x4d: {  	_ =	shalt  }
0x4e: {  	_ =	shalt  }
0x4f: {  	_ =	shalt  }
0x50: {  	_ =	shalt  }
0x51: {  	_ =	shalt  }
0x52: {  	_ =	shalt  }
0x53: {  	_ =	shalt  }
0x54: {  	_ =	shalt  }
0x55: {  	_ =	shalt  }
0x56: {  	_ =	shalt  }
0x57: {  	_ =	shalt  }
0x58: {  	_ =	shalt  }
0x59: {  	_ =	shalt  }
0x5a: {  	_ =	shalt  }
0x5b: {  	_ =	shalt  }
0x5c: {  	_ =	shalt  }
0x5d: {  	_ =	shalt  }
0x5e: {  	_ =	shalt  }
0x5f: {  	_ =	shalt  }
0x60: {  	_ =	shalt  }
0x61: {  	_ =	shalt  }
0x62: {  	_ =	shalt  }
0x63: {  	_ =	shalt  }
0x64: {  	_ =	shalt  }
0x65: {  	_ =	shalt  }
0x66: {  	_ =	shalt  }
0x67: {  	_ =	shalt  }
0x68: {  	_ =	shalt  }
0x69: {  	_ =	shalt  }
0x6a: {  	_ =	shalt  }
0x6b: {  	_ =	shalt  }
0x6c: {  	_ =	shalt  }
0x6d: {  	_ =	shalt  }
0x6e: {  	_ =	shalt  }
0x6f: {  	_ =	shalt  }
0x70: {  	_ =	shalt  }
0x71: {  	_ =	shalt  }
0x72: {  	_ =	shalt  }
0x73: {  	_ =	shalt  }
0x74: {  	_ =	shalt  }
0x75: {  	_ =	shalt  }
0x76: {  	_ =	shalt  }
0x77: {  	_ =	shalt  }
0x78: {  	_ =	shalt  }
0x79: {  	_ =	shalt  }
0x7a: {  	_ =	shalt  }
0x7b: {  	_ =	shalt  }
0x7c: {  	_ =	shalt  }
0x7d: {  	_ =	shalt  }
0x7e: {  	_ =	shalt  }
0x7f: {  	_ =	shalt  }
0x80: {  	_ =	shalt  }
0x81: {  	_ =	shalt  }
0x82: {  	_ =	shalt  }
0x83: {  	_ =	shalt  }
0x84: {  	_ =	shalt  }
0x85: {  	_ =	shalt  }
0x86: {  	_ =	shalt  }
0x87: {  	_ =	shalt  }
.Lfunc_end0:
.L_simem_size_0:
called_computation_lowered:
.L_overlay_start_0:
0x88: {  	s2 =	sld [smem:$0x3FD9]  }
0x89: {  	s3 =	sld [smem:$0x3FFE];
	_ =	sdelay $0x1  }
0x8a: {  	s1 =	srdreg.scid  }
0x8b: {  	s0 =	sand.u32 $0x1, s1  }
0x8c: {  	s17 =	sshll.u32 s0, $0xA;
	s2 =	sadd.s32 s3, s2  }
0x8d: {  	s2 =	sadd.s32 s2, s17  }
0x8e: {  	[smem:$0x3FC7] =	sst s2  }
0x8f: {  	_ = 	snop  }
0x90: {  	s2 =	sld [smem:$0x3FD0];
	(tm) =	ssettm $0x1  }
0x91: {  	s18 =	sld [smem:$0x3FFB];
	_ =	sdelay $0x3  }
0x92: {  	_ =	strace s18  }
0x93: {  	s3 =	sld [smem:$0x3FFC];
	_ =	sdelay $0x3  }
0x94: {  	_ =	strace s3  }
0x95: {  	s3 =	sld [smem:$0x3FFD];
	_ =	sdelay $0x3  }
0x96: {  	_ =	strace s3  }
0x97: {  	_ =	strace $0x8FFFFFFF  }
0x98: {  	s19 =	sld [smem:$0x3FDB];
	_ =	sdelay $0x1  }
0x99: {  	s4 =	simm.s32 $_scs_section_size  }
0x9a: {  	s5 =	simm.s32 $_size__tile_overlayer_lowered;
	s6 =	simm.s32 $_tile_overlayer_lowered  }
0x9b: {  	s22 =	simm.s32 $0x1BFF;
	s21 =	sshll.u32 s6, $0x1;
	s3 =	sadd.s32 s4, s19  }
0x9c: {  	s7 =	simm.s32 $0x0;
	s20 =	sshll.u32 s5, $0x1;
	s5 =	sadd.s32 s21, s3  }
0x9d: {  	[timem:s7], [sflag:s22] =	dma.local [hbm:s5], s20  }
0x9e: {  	_ =	swait.ge [sflag:s22], s20  }
0x9f: {  	s4 =	ssub.s32 $0x0, s20;
	[sflag:s22] =	ssyncset.done $0x0  }
0xa0: {  	[sflag:s22] =	ssyncadd.s32 s4;
	_ =	sdelay $0x1  }
0xa1: {  	s23 =	simm.s32 $0x1B8B  }
0xa2: {  	_ =	swait.ge [sflag:s23], $0x1  }
0xa3: {  	[sflag:s23] =	ssyncset.done $0x0  }
0xa4: {  	s25 =	simm.s32 $0x1B8E;
	s24 =	sld [smem:$0x3FFE];
	[sflag:s23] =	ssyncadd.s32 $0xFFFFFFFF  }
0xa5: {  	s26 =	simm.s32 $execute0_lowered;
	[smem:$0x3FD2] =	sst s25  }
0xa6: {  	s5 =	sshll.u32 s26, $0x1;
	_ =	strace $0x80000046;
	[dreg:$0x1] =	wrdreg $0xFFFFFFFF  }
0xa7: {  	s28 =	simm.s32 $_size_execute0_lowered;
	s3 =	sadd.s32 s3, s5;
	[dreg:$0x0] =	wrdreg $0x0  }
0xa8: {  	s5 =	sshll.u32 s28, $0x1;
	[dreg:$0x2] =	wrdreg s3  }
0xa9: {  	[dreg:$0x3] =	wrdreg s5  }
0xaa: {  	[dreg:$0x4] =	wrdreg $0xC0  }
0xab: {  	_ =	task [dreg:s7], $0x5FFFF  }
0xac: {  	[dreg:$0x1] =	wrdreg $0xFFFFFFFF  }
0xad: {  	[dreg:$0x0] =	wrdreg $0x60  }
0xae: {  	[dreg:$0x2] =	wrdreg s2  }
0xaf: {  	[dreg:$0x3] =	wrdreg s24  }
0xb0: {  	[dreg:$0x4] =	wrdreg $0x9  }
0xb1: {  	_ =	task.clear_ibuf [dreg:s7], $0x5FFFF;
	_ =	strace $0x90000046  }
0xb2: {  	s29 =	simm.s32 $0x9;
	_ =	strace $0x80000048  }
0xb3: {  	_ =	swait.ge [sflag:s29], $0x1  }
0xb4: {  	[sflag:s29] =	ssyncadd.s32 $0xFFFFFFFF  }
0xb5: {  	_ =	strace $0x90000048  }
0xb6: {  	_ =	sfence  }
0xb7: {  	s30 =	sld [smem:$0x0];
	_ =	sdelay $0x2  }
0xb8: {  	s31 =	sshll.u32 s1, $0xD;
	s1 =	sshrl.u32 s1, $0x2  }
0xb9: {  	s3 =	sand.u32 $0x4000, s31;
	s1 =	sadd.s32 s1, s30  }
0xba: {  	s0 =	sor.u32 s3, s0;
	s1 =	sshll.u32 s1, $0x11  }
0xbb: {  	s0 =	sor.u32 s1, s0  }
0xbc: {  	s0 =	sadd.s32 $0x8F2B, s0  }
0xbd: {  	[sflag:s0] =	ssyncadd.remote.s32 $0x1  }
0xbe: {  	_ =	sfence.sel $0xFFFF  }
0xbf: {  	[dreg:$0x0] =	wrdreg $0xFFFFFFFF;
	(pc) =	sbr.abs _section_cstart, $3  }
0xc0: {  	[dreg:$0x1] =	wrdreg $0xFFFFFFFF  }
0xc1: {  	_ =	task.clear_ibuf [dreg:s7], $0x2FFFF;
	_ =	strace $0x9FFFFFFF  }
0xc2: {  	(tm) =	ssettm $0x7FFFFFFF  }
0xc3: {  	_ =	shalt  }
tec
execute0_lowered:
.L_overlay_start_1:
0x0: {  	(tag) =	ssettag $0x1  }
0x1: {  	s4 =	rddreg [dreg:$0x0]  }
0x2: {  	s3 =	rddreg [dreg:$0x1]  }
0x3: {  	s0 =	rddreg [dreg:$0x2];
	s2 =	simm.s32 $0x0;
	s1 =	stileid.u32  }
0x4: {  	s6 =	srdreg.scid;
	s10 =	simm.s32 $0x400;
	s11 =	simm.s32 $0x3  }
0x5: {  	s12 =	simm.s32 $0x0;
	[smem:$0x7FF] =	sst s2;
	s5 =	sshll.u32 s1, $0x5  }
0x6: {  	s6 =	sand.u32 $0x1, s6;
	s7 =	sshll.u32 s1, $0x7;
	_ =	strace $0x80000047  }
0x7: {  	s5 =	sand.u32 $0x1C0, s5;
	s8 =	sshll.u32 s6, $0x6;
	s6 =	ssub.s32 $0x2, s6  }
0x8: {  	s5 =	sadd.s32 s5, s3;
	s7 =	sor.u32 s8, s7;
	s31 =	sshrl.u32 s6, $0x1  }
0x9: {  	s8 =	simm.s32 $0x1;
	s9 =	sadd.s32 s7, s3;
	s6 =	ssub.s32 s6, s31  }
0xa: {  	s3 =	sadd.s32 $0x600, s5;
	s4 =	sadd.s32 s4, s7;
	s7 =	simm.s32 $0x200  }
0xb: {  	s5 =	sadd.s32 $0x800, s9;
	s6 =	smax.u32 s6, $0x1;
	s9 =	simm.s32 $0x2  }
.LBB2_1:
0xc: {  	[tilespmem:s7], [sflag:$0x1] =	stream.linear.gather [hbm4b:s3+s2], $0x200, $0x38;
	[tilespmem:$0x600] =	vst v63  }
0xd: {  	_ = 	snop  }
0xe: {  	[tilespmem:s2], [sflag:$0x2] =	stream.linear.gather [hbm4b:s4+s2], $0x200, $0x38;
	[tilespmem:$0x600] =	vst v63  }
0xf: {  	_ =	swait.ge [sflag:s8], $0x200  }
0x10: {  	[sflag:s8] =	ssyncset.done $0x0  }
0x11: {  	[sflag:s8] =	ssyncadd.s32 $0xFFFFFE00  }
0x12: {  	_ =	swait.ge [sflag:s9], $0x200  }
0x13: {  	[sflag:s9] =	ssyncset.done $0x0  }
0x14: {  	s13 =	simm.s32 $0x0;
	[sflag:s9] =	ssyncadd.s32 $0xFFFFFE00  }
0x15: {  	v0 =	vld [tilespmem:s13+$0x0];
	_ =	sdelay $0x7  }
0x16: {  	s14 =	simm.s32 $0x10;
	s15 =	simm.s32 $0x80;
	v0 =	vld.idx.msk [tilespmem:v0+s7+$0x0], $0xffff  }
.LBB2_2:
0x17: {  	p0 =	sne.s32 s15, $0x7C0;
	v1 =	vld [tilespmem:s14+$0x0];
	_ =	sdelay $0x3  }
.Ltmp0:
0x18: {  	(pc) =	sbr.rel @p0 .LBB2_2-.Ltmp0, $2  }
0x19: {  	[tilespmem:s13+$0x400] =	vst v0;
	s13 =	smov.u32 s14;
	_ =	sdelay $0x2  }
0x1a: {  	s14 =	sshra.s32 s15, $0x2;
	s15 =	sadd.s32 $0x40, s15;
	v0 =	vld.idx.msk [tilespmem:v1+s7+$0x0], $0xffff  }
0x1b: {  	v1 =	vld [tilespmem:s14+$0x0];
	_ =	sdelay $0x6  }
0x1c: {  	[tilespmem:s13+$0x400] =	vst v0  }
0x1d: {  	v0 =	vld.idx.msk [tilespmem:v1+s7+$0x0], $0xffff;
	_ =	sdelay $0x2  }
0x1e: {  	s12 =	sadd.s32 $0x1, s12  }
0x1f: {  	p0 =	sne.s32 s12, s6  }
.Ltmp1:
0x20: {  	[tilespmem:s14+$0x400] =	vst v0;
	(pc) =	sbr.rel @p0 .LBB2_1-.Ltmp1, $4  }
0x21: {  	[hbm4b:s5+s2] =	stream.linear.scatter [tilespmem:s10], [sflag:$0x3], $0x200, $0x38;
	[tilespmem:$0x600] =	vst v63  }
0x22: {  	_ =	swait.ge [sflag:s11], $0x200  }
0x23: {  	[sflag:s11] =	ssyncset.done $0x0  }
0x24: {  	[sflag:s11] =	ssyncadd.s32 $0xFFFFFE00  }
0x25: {  	_ =	sfence.sel $0x180000  }
0x26: {  	[bflag:$0x0] =	sbarrier.arrive $0xFFFF  }
0x27: {  	p0 =	sne.s32 s1, $0x0;
	_ =	strace $0x90000047  }
0x28: {  	s0 =	sadd.s32 @!p0 $0x100000, s0;
	[bflag:$0x2] =	sbarrier.arrive $0xFFFF  }
0x29: {  	[sflag:s0] =	ssyncadd.tile.s32 @!p0 $0x1;
	_ =	shalt  }
.Lfunc_end2:
_tile_overlayer_lowered:
.L_overlay_start_2:
0x2a: {  	(tag) =	ssettag $0x2  }
0x2b: {  	s0 =	rddreg [dreg:$0x0];
	s2 =	stileid.u32  }
0x2c: {  	s1 =	rddreg [dreg:$0x1];
	p0 =	sne.s32 s2, $0x0  }
0x2d: {  	s3 =	rddreg [dreg:$0x2];
	[bflag:$0x3] =	sbarrier.arrive $0xFFFF;
	s2 =	simm.s32 @!p0 $0x1C03  }
0x2e: {  	[timem:s3], [sflag:s2] =	dma.local @!p0 [hbm:s0], s1  }
0x2f: {  	s0 =	simm.s32 @!p0 $0x3  }
0x30: {  	_ =	swait.ge @!p0 [sflag:s0], s1  }
0x31: {  	s1 =	ssub.s32 @!p0 $0x0, s1;
	[sflag:s0] =	ssyncset.done @!p0 $0x0  }
0x32: {  	[sflag:s0] =	ssyncadd.s32 @!p0 s1  }
0x33: {  	[bflag:$0x3] =	sbarrier.arrive $0xFFFF  }
0x34: {  	_ =	shalt  }

</sc_bundles>
